<compile_context>
chip_gen: v7x
topology: tpu7x:2x2x1
jax: 0.10.2.dev20260603
libtpu: 0.0.44.dev20260713+nightly
codegen_flags: <defaults>
</compile_context>

<pallas_src>
import functools

import jax
import jax.numpy as jnp
from jax import lax
from jax.experimental import pallas as pl
from jax.experimental.pallas import tpu as pltpu
from jax.experimental.pallas import tpu_sc as plsc

_B, _N, _D = 4096, 50, 256
_HID = 2 * _D
_OUT = 256

_NC, _NS, _NL = 2, 16, 16
_NW = _NC * _NS
_B_PER_W = _B // _NW


@functools.cache
def _make_sc_gather():
    mesh = plsc.VectorSubcoreMesh(core_axis_name="c", subcore_axis_name="s")

    @functools.partial(
        pl.kernel,
        mesh=mesh,
        out_type=jax.ShapeDtypeStruct((_B, _D), jnp.float32),
        scratch_types=[
            pltpu.VMEM((_B_PER_W,), jnp.int32),
            pltpu.VMEM((_B_PER_W,), jnp.int32),
            pltpu.VMEM((_B_PER_W,), jnp.int32),
            pltpu.VMEM((_B_PER_W, _D), jnp.float32),
            pltpu.SemaphoreType.DMA,
        ],
    )
    def gather_k(table_hbm, at_hbm, out_hbm, a0_v, a1_v, idx_v, rows_v, sem):
        wid = lax.axis_index("s") * _NC + lax.axis_index("c")
        base = wid * _B_PER_W
        pltpu.sync_copy(at_hbm.at[0, pl.ds(base, _B_PER_W)], a0_v)
        pltpu.sync_copy(at_hbm.at[1, pl.ds(base, _B_PER_W)], a1_v)
        for k in range(_B_PER_W // _NL):
            sl = pl.ds(k * _NL, _NL)
            idx_v[sl] = a1_v[sl] * _B + a0_v[sl]
        pltpu.async_copy(table_hbm.at[idx_v], rows_v, sem).wait()
        pltpu.sync_copy(rows_v, out_hbm.at[pl.ds(base, _B_PER_W)])

    return gather_k


_BB = 256


def _tc_body(xa_ref, xb_ref, local_ref, w1_ref, b1_ref, w2_ref, b2_ref, o_ref):
    s = jnp.sum(xa_ref[...], axis=0) + jnp.sum(xb_ref[...], axis=0)
    mean = s * (1.0 / _N)
    h = jnp.concatenate([local_ref[...], mean], axis=1)
    h = jnp.dot(h, w1_ref[...], preferred_element_type=jnp.float32)
    h = jnp.maximum(h + b1_ref[...], 0.0)
    h = jnp.dot(h, w2_ref[...], preferred_element_type=jnp.float32)
    o_ref[...] = jnp.maximum(h + b2_ref[...], 0.0)


def _tc_call(xt, local, W1, b1, W2, b2):
    return pl.pallas_call(
        _tc_body,
        grid=(_B // _BB,),
        in_specs=[
            pl.BlockSpec((_N // 2, _BB, _D), lambda i: (0, i, 0)),
            pl.BlockSpec((_N // 2, _BB, _D), lambda i: (1, i, 0)),
            pl.BlockSpec((_BB, _D), lambda i: (i, 0)),
            pl.BlockSpec((_HID, _HID), lambda i: (0, 0)),
            pl.BlockSpec((1, _HID), lambda i: (0, 0)),
            pl.BlockSpec((_HID, _OUT), lambda i: (0, 0)),
            pl.BlockSpec((1, _OUT), lambda i: (0, 0)),
        ],
        out_specs=pl.BlockSpec((_BB, _OUT), lambda i: (i, 0)),
        out_shape=jax.ShapeDtypeStruct((_B, _OUT), jnp.float32),
    )(xt, xt, local, W1, b1.reshape(1, _HID), W2, b2.reshape(1, _OUT))


def kernel(x, edge_index, agent_nodes, W1, b1, W2, b2):
    at = jnp.transpose(agent_nodes.astype(jnp.int32))
    xt = jnp.transpose(x, (1, 0, 2))
    table = xt.reshape(_N * _B, _D)
    local = _make_sc_gather()(table, at)
    return _tc_call(xt, local, W1, b1, W2, b2)

# --- scband reference (transcript-rebuilt; emitter-appended) ---
"""Pipeline reference for scband-general-gnnpooling-8220567405345 (READ-ONLY COPY).

The authoritative reference and input builder live on the scoring server;
editing this copy changes nothing except your own understanding.
"""

import jax, jax.numpy as jnp
import numpy as np

B, N, D = 4096, 50, 256
OUT = 256
HID = 2 * D  # hybrid aggregation doubles input_dim


def setup_inputs(seed: int = 0) -> dict:
    key = jax.random.key(seed)
    k1, k2, k3, k4, k5, k6, k7 = jax.random.split(key, 7)
    x = jax.random.normal(k1, (B, N, D), dtype=jnp.float32)
    edge_index = jax.random.randint(k2, (2, 1000), 0, 50, dtype=jnp.int64)
    agent_nodes = jax.random.randint(k3, (B, 2), 0, 50, dtype=jnp.int64)
    W1 = jax.random.normal(k4, (HID, HID), dtype=jnp.float32) / np.sqrt(HID)
    b1 = jnp.zeros((HID,), dtype=jnp.float32)
    W2 = jax.random.normal(k5, (HID, OUT), dtype=jnp.float32) / np.sqrt(HID)
    b2 = jnp.zeros((OUT,), dtype=jnp.float32)
    return {"x": x, "edge_index": edge_index, "agent_nodes": agent_nodes,
            "W1": W1, "b1": b1, "W2": W2, "b2": b2}


def reference(x, edge_index, agent_nodes, W1, b1, W2, b2):
    # LocalPooling: gather per-batch agent node features -> [B, D]
    local = x[agent_nodes[:, 0], agent_nodes[:, 1]]
    # MeanAggregation over node dim (index=None -> reduce dim=-2), reshape [B, -1]
    mean = jnp.mean(x, axis=1)
    h = jnp.concatenate([local, mean], axis=1)  # [B, 2D]
    # reducer: SlimFC(relu) -> SlimFC(relu)
    h = jax.nn.relu(h @ W1 + b1)
    h = jax.nn.relu(h @ W2 + b2)
    return h

if __name__ == "__main__":
    import jax
    _d = setup_inputs()
    print(jax.jit(kernel)(*tuple(_d.values())))

</pallas_src>

<mosaic_0001>
#map = affine_map<(d0, d1) -> (0, 0)>
module attributes {stable_mosaic.version = 14 : i64} {
  func.func @gather_k(%arg0: i32, %arg1: i32, %arg2: memref<204800x256xf32, #tpu.memory_space<hbm>>, %arg3: memref<2x4096xi32, #tpu.memory_space<hbm>>, %arg4: memref<4096x256xf32, #tpu.memory_space<hbm>>, %arg5: memref<128xi32, #tpu.memory_space<vmem>>, %arg6: memref<128xi32, #tpu.memory_space<vmem>>, %arg7: memref<128xi32, #tpu.memory_space<vmem>>, %arg8: memref<128x256xf32, #tpu.memory_space<vmem>>, %arg9: memref<!tpu.dma_semaphore, #tpu.memory_space<semaphore_mem>>) attributes {dimension_semantics = [#tpu.dimension_semantics<core_parallel>, #tpu.dimension_semantics<subcore_parallel>], iteration_bounds = array<i64: 2, 16>, scalar_prefetch = 0 : i64, scratch_operands = 5 : i64, tpu.core_type = #tpu.core_type<sc_vector_subcore>, window_params = [{transform_indices = #map}, {transform_indices = #map}, {transform_indices = #map}]} {
    %mul3A = arith.constant 2 : i32
    %mul3A_0 = arith.muli %arg1, %mul3A : i32
    %add3A = arith.addi %mul3A_0, %arg0 : i32
    %mul3A_1 = arith.constant 128 : i32
    %mul3A_2 = arith.muli %add3A, %mul3A_1 : i32
    %run_scoped3A = arith.constant 0 : i32
    "tpu.region"() ({
      %run_scoped3A_118 = tpu.sem_alloc : memref<!tpu.dma_semaphore, #tpu.memory_space<semaphore_mem>>
      %dma_start3A_119 = tpu.memref_slice %arg3[%run_scoped3A, %mul3A_2] : memref<2x4096xi32, #tpu.memory_space<hbm>> -> memref<1x128xi32, #tpu.memory_space<hbm>>
      %dma_start3A_120 = tpu.memref_squeeze %dma_start3A_119 : memref<1x128xi32, #tpu.memory_space<hbm>> -> memref<128xi32, #tpu.memory_space<hbm>>
      %dma_start3A_121 = tpu.memref_slice %arg3[%run_scoped3A, %mul3A_2] : memref<2x4096xi32, #tpu.memory_space<hbm>> -> memref<1x128xi32, #tpu.memory_space<hbm>>
      %dma_start3A_122 = tpu.memref_squeeze %dma_start3A_121 : memref<1x128xi32, #tpu.memory_space<hbm>> -> memref<128xi32, #tpu.memory_space<hbm>>
      tpu.enqueue_dma source(%dma_start3A_122 : memref<128xi32, #tpu.memory_space<hbm>>) target(%arg5 : memref<128xi32, #tpu.memory_space<vmem>>) target_semaphore(%run_scoped3A_118 : memref<!tpu.dma_semaphore, #tpu.memory_space<semaphore_mem>>)
      %dma_wait3A_123 = tpu.memref_slice %arg3[%run_scoped3A, %mul3A_2] : memref<2x4096xi32, #tpu.memory_space<hbm>> -> memref<1x128xi32, #tpu.memory_space<hbm>>
      %dma_wait3A_124 = tpu.memref_squeeze %dma_wait3A_123 : memref<1x128xi32, #tpu.memory_space<hbm>> -> memref<128xi32, #tpu.memory_space<hbm>>
      %dma_wait3A_125 = tpu.memref_slice %arg3[%run_scoped3A, %mul3A_2] : memref<2x4096xi32, #tpu.memory_space<hbm>> -> memref<1x128xi32, #tpu.memory_space<hbm>>
      %dma_wait3A_126 = tpu.memref_squeeze %dma_wait3A_125 : memref<1x128xi32, #tpu.memory_space<hbm>> -> memref<128xi32, #tpu.memory_space<hbm>>
      tpu.wait_dma2 semaphore(%run_scoped3A_118 : memref<!tpu.dma_semaphore, #tpu.memory_space<semaphore_mem>>) src(%dma_wait3A_126 : memref<128xi32, #tpu.memory_space<hbm>>) dst(%arg5 : memref<128xi32, #tpu.memory_space<vmem>>)
      tpu.yield
    }) : () -> ()
    %run_scoped3A_3 = arith.constant 1 : i32
    "tpu.region"() ({
      %run_scoped3A_118 = tpu.sem_alloc : memref<!tpu.dma_semaphore, #tpu.memory_space<semaphore_mem>>
      %dma_start3A_119 = tpu.memref_slice %arg3[%run_scoped3A_3, %mul3A_2] : memref<2x4096xi32, #tpu.memory_space<hbm>> -> memref<1x128xi32, #tpu.memory_space<hbm>>
      %dma_start3A_120 = tpu.memref_squeeze %dma_start3A_119 : memref<1x128xi32, #tpu.memory_space<hbm>> -> memref<128xi32, #tpu.memory_space<hbm>>
      %dma_start3A_121 = tpu.memref_slice %arg3[%run_scoped3A_3, %mul3A_2] : memref<2x4096xi32, #tpu.memory_space<hbm>> -> memref<1x128xi32, #tpu.memory_space<hbm>>
      %dma_start3A_122 = tpu.memref_squeeze %dma_start3A_121 : memref<1x128xi32, #tpu.memory_space<hbm>> -> memref<128xi32, #tpu.memory_space<hbm>>
      tpu.enqueue_dma source(%dma_start3A_122 : memref<128xi32, #tpu.memory_space<hbm>>) target(%arg6 : memref<128xi32, #tpu.memory_space<vmem>>) target_semaphore(%run_scoped3A_118 : memref<!tpu.dma_semaphore, #tpu.memory_space<semaphore_mem>>)
      %dma_wait3A_123 = tpu.memref_slice %arg3[%run_scoped3A_3, %mul3A_2] : memref<2x4096xi32, #tpu.memory_space<hbm>> -> memref<1x128xi32, #tpu.memory_space<hbm>>
      %dma_wait3A_124 = tpu.memref_squeeze %dma_wait3A_123 : memref<1x128xi32, #tpu.memory_space<hbm>> -> memref<128xi32, #tpu.memory_space<hbm>>
      %dma_wait3A_125 = tpu.memref_slice %arg3[%run_scoped3A_3, %mul3A_2] : memref<2x4096xi32, #tpu.memory_space<hbm>> -> memref<1x128xi32, #tpu.memory_space<hbm>>
      %dma_wait3A_126 = tpu.memref_squeeze %dma_wait3A_125 : memref<1x128xi32, #tpu.memory_space<hbm>> -> memref<128xi32, #tpu.memory_space<hbm>>
      tpu.wait_dma2 semaphore(%run_scoped3A_118 : memref<!tpu.dma_semaphore, #tpu.memory_space<semaphore_mem>>) src(%dma_wait3A_126 : memref<128xi32, #tpu.memory_space<hbm>>) dst(%arg6 : memref<128xi32, #tpu.memory_space<vmem>>)
      tpu.yield
    }) : () -> ()
    %get3A = arith.constant 0 : index
    %get3A_4 = tpu.vector_load %arg6[%get3A] {strides = array<i32>} : memref<128xi32, #tpu.memory_space<vmem>>, vector<16xi32>,
    %get3A_5 = vector.shape_cast %get3A_4 : vector<16xi32> to vector<16xi32>
    %mul3A_6 = arith.constant 4096 : i32
    %mul3A_7 = vector.broadcast %mul3A_6 : i32 to vector<16xi32>
    %mul3A_8 = arith.muli %get3A_5, %mul3A_7 : vector<16xi32>
    %get3A_9 = arith.constant 0 : index
    %get3A_10 = tpu.vector_load %arg5[%get3A_9] {strides = array<i32>} : memref<128xi32, #tpu.memory_space<vmem>>, vector<16xi32>,
    %get3A_11 = vector.shape_cast %get3A_10 : vector<16xi32> to vector<16xi32>
    %add3A_12 = arith.addi %mul3A_8, %get3A_11 : vector<16xi32>
    %swap3A = arith.constant 0 : index
    %swap3A_13 = tpu.vector_load %arg7[%swap3A] {strides = array<i32>} : memref<128xi32, #tpu.memory_space<vmem>>, vector<16xi32>,
    %swap3A_14 = vector.shape_cast %swap3A_13 : vector<16xi32> to vector<16xi32>
    %swap3A_15 = vector.shape_cast %add3A_12 : vector<16xi32> to vector<16xi32>
    tpu.vector_store %arg7[%swap3A], %swap3A_15 {strides = array<i32>} : memref<128xi32, #tpu.memory_space<vmem>>, vector<16xi32>,
    %get3A_16 = arith.constant 16 : index
    %get3A_17 = tpu.vector_load %arg6[%get3A_16] {strides = array<i32>} : memref<128xi32, #tpu.memory_space<vmem>>, vector<16xi32>,
    %get3A_18 = vector.shape_cast %get3A_17 : vector<16xi32> to vector<16xi32>
    %mul3A_19 = arith.constant 4096 : i32
    %mul3A_20 = vector.broadcast %mul3A_19 : i32 to vector<16xi32>
    %mul3A_21 = arith.muli %get3A_18, %mul3A_20 : vector<16xi32>
    %get3A_22 = arith.constant 16 : index
    %get3A_23 = tpu.vector_load %arg5[%get3A_22] {strides = array<i32>} : memref<128xi32, #tpu.memory_space<vmem>>, vector<16xi32>,
    %get3A_24 = vector.shape_cast %get3A_23 : vector<16xi32> to vector<16xi32>
    %add3A_25 = arith.addi %mul3A_21, %get3A_24 : vector<16xi32>
    %swap3A_26 = arith.constant 16 : index
    %swap3A_27 = tpu.vector_load %arg7[%swap3A_26] {strides = array<i32>} : memref<128xi32, #tpu.memory_space<vmem>>, vector<16xi32>,
    %swap3A_28 = vector.shape_cast %swap3A_27 : vector<16xi32> to vector<16xi32>
    %swap3A_29 = vector.shape_cast %add3A_25 : vector<16xi32> to vector<16xi32>
    tpu.vector_store %arg7[%swap3A_26], %swap3A_29 {strides = array<i32>} : memref<128xi32, #tpu.memory_space<vmem>>, vector<16xi32>,
    %get3A_30 = arith.constant 32 : index
    %get3A_31 = tpu.vector_load %arg6[%get3A_30] {strides = array<i32>} : memref<128xi32, #tpu.memory_space<vmem>>, vector<16xi32>,
    %get3A_32 = vector.shape_cast %get3A_31 : vector<16xi32> to vector<16xi32>
    %mul3A_33 = arith.constant 4096 : i32
    %mul3A_34 = vector.broadcast %mul3A_33 : i32 to vector<16xi32>
    %mul3A_35 = arith.muli %get3A_32, %mul3A_34 : vector<16xi32>
    %get3A_36 = arith.constant 32 : index
    %get3A_37 = tpu.vector_load %arg5[%get3A_36] {strides = array<i32>} : memref<128xi32, #tpu.memory_space<vmem>>, vector<16xi32>,
    %get3A_38 = vector.shape_cast %get3A_37 : vector<16xi32> to vector<16xi32>
    %add3A_39 = arith.addi %mul3A_35, %get3A_38 : vector<16xi32>
    %swap3A_40 = arith.constant 32 : index
    %swap3A_41 = tpu.vector_load %arg7[%swap3A_40] {strides = array<i32>} : memref<128xi32, #tpu.memory_space<vmem>>, vector<16xi32>,
    %swap3A_42 = vector.shape_cast %swap3A_41 : vector<16xi32> to vector<16xi32>
    %swap3A_43 = vector.shape_cast %add3A_39 : vector<16xi32> to vector<16xi32>
    tpu.vector_store %arg7[%swap3A_40], %swap3A_43 {strides = array<i32>} : memref<128xi32, #tpu.memory_space<vmem>>, vector<16xi32>,
    %get3A_44 = arith.constant 48 : index
    %get3A_45 = tpu.vector_load %arg6[%get3A_44] {strides = array<i32>} : memref<128xi32, #tpu.memory_space<vmem>>, vector<16xi32>,
    %get3A_46 = vector.shape_cast %get3A_45 : vector<16xi32> to vector<16xi32>
    %mul3A_47 = arith.constant 4096 : i32
    %mul3A_48 = vector.broadcast %mul3A_47 : i32 to vector<16xi32>
    %mul3A_49 = arith.muli %get3A_46, %mul3A_48 : vector<16xi32>
    %get3A_50 = arith.constant 48 : index
    %get3A_51 = tpu.vector_load %arg5[%get3A_50] {strides = array<i32>} : memref<128xi32, #tpu.memory_space<vmem>>, vector<16xi32>,
    %get3A_52 = vector.shape_cast %get3A_51 : vector<16xi32> to vector<16xi32>
    %add3A_53 = arith.addi %mul3A_49, %get3A_52 : vector<16xi32>
    %swap3A_54 = arith.constant 48 : index
    %swap3A_55 = tpu.vector_load %arg7[%swap3A_54] {strides = array<i32>} : memref<128xi32, #tpu.memory_space<vmem>>, vector<16xi32>,
    %swap3A_56 = vector.shape_cast %swap3A_55 : vector<16xi32> to vector<16xi32>
    %swap3A_57 = vector.shape_cast %add3A_53 : vector<16xi32> to vector<16xi32>
    tpu.vector_store %arg7[%swap3A_54], %swap3A_57 {strides = array<i32>} : memref<128xi32, #tpu.memory_space<vmem>>, vector<16xi32>,
    %get3A_58 = arith.constant 64 : index
    %get3A_59 = tpu.vector_load %arg6[%get3A_58] {strides = array<i32>} : memref<128xi32, #tpu.memory_space<vmem>>, vector<16xi32>,
    %get3A_60 = vector.shape_cast %get3A_59 : vector<16xi32> to vector<16xi32>
    %mul3A_61 = arith.constant 4096 : i32
    %mul3A_62 = vector.broadcast %mul3A_61 : i32 to vector<16xi32>
    %mul3A_63 = arith.muli %get3A_60, %mul3A_62 : vector<16xi32>
    %get3A_64 = arith.constant 64 : index
    %get3A_65 = tpu.vector_load %arg5[%get3A_64] {strides = array<i32>} : memref<128xi32, #tpu.memory_space<vmem>>, vector<16xi32>,
    %get3A_66 = vector.shape_cast %get3A_65 : vector<16xi32> to vector<16xi32>
    %add3A_67 = arith.addi %mul3A_63, %get3A_66 : vector<16xi32>
    %swap3A_68 = arith.constant 64 : index
    %swap3A_69 = tpu.vector_load %arg7[%swap3A_68] {strides = array<i32>} : memref<128xi32, #tpu.memory_space<vmem>>, vector<16xi32>,
    %swap3A_70 = vector.shape_cast %swap3A_69 : vector<16xi32> to vector<16xi32>
    %swap3A_71 = vector.shape_cast %add3A_67 : vector<16xi32> to vector<16xi32>
    tpu.vector_store %arg7[%swap3A_68], %swap3A_71 {strides = array<i32>} : memref<128xi32, #tpu.memory_space<vmem>>, vector<16xi32>,
    %get3A_72 = arith.constant 80 : index
    %get3A_73 = tpu.vector_load %arg6[%get3A_72] {strides = array<i32>} : memref<128xi32, #tpu.memory_space<vmem>>, vector<16xi32>,
    %get3A_74 = vector.shape_cast %get3A_73 : vector<16xi32> to vector<16xi32>
    %mul3A_75 = arith.constant 4096 : i32
    %mul3A_76 = vector.broadcast %mul3A_75 : i32 to vector<16xi32>
    %mul3A_77 = arith.muli %get3A_74, %mul3A_76 : vector<16xi32>
    %get3A_78 = arith.constant 80 : index
    %get3A_79 = tpu.vector_load %arg5[%get3A_78] {strides = array<i32>} : memref<128xi32, #tpu.memory_space<vmem>>, vector<16xi32>,
    %get3A_80 = vector.shape_cast %get3A_79 : vector<16xi32> to vector<16xi32>
    %add3A_81 = arith.addi %mul3A_77, %get3A_80 : vector<16xi32>
    %swap3A_82 = arith.constant 80 : index
    %swap3A_83 = tpu.vector_load %arg7[%swap3A_82] {strides = array<i32>} : memref<128xi32, #tpu.memory_space<vmem>>, vector<16xi32>,
    %swap3A_84 = vector.shape_cast %swap3A_83 : vector<16xi32> to vector<16xi32>
    %swap3A_85 = vector.shape_cast %add3A_81 : vector<16xi32> to vector<16xi32>
    tpu.vector_store %arg7[%swap3A_82], %swap3A_85 {strides = array<i32>} : memref<128xi32, #tpu.memory_space<vmem>>, vector<16xi32>,
    %get3A_86 = arith.constant 96 : index
    %get3A_87 = tpu.vector_load %arg6[%get3A_86] {strides = array<i32>} : memref<128xi32, #tpu.memory_space<vmem>>, vector<16xi32>,
    %get3A_88 = vector.shape_cast %get3A_87 : vector<16xi32> to vector<16xi32>
    %mul3A_89 = arith.constant 4096 : i32
    %mul3A_90 = vector.broadcast %mul3A_89 : i32 to vector<16xi32>
    %mul3A_91 = arith.muli %get3A_88, %mul3A_90 : vector<16xi32>
    %get3A_92 = arith.constant 96 : index
    %get3A_93 = tpu.vector_load %arg5[%get3A_92] {strides = array<i32>} : memref<128xi32, #tpu.memory_space<vmem>>, vector<16xi32>,
    %get3A_94 = vector.shape_cast %get3A_93 : vector<16xi32> to vector<16xi32>
    %add3A_95 = arith.addi %mul3A_91, %get3A_94 : vector<16xi32>
    %swap3A_96 = arith.constant 96 : index
    %swap3A_97 = tpu.vector_load %arg7[%swap3A_96] {strides = array<i32>} : memref<128xi32, #tpu.memory_space<vmem>>, vector<16xi32>,
    %swap3A_98 = vector.shape_cast %swap3A_97 : vector<16xi32> to vector<16xi32>
    %swap3A_99 = vector.shape_cast %add3A_95 : vector<16xi32> to vector<16xi32>
    tpu.vector_store %arg7[%swap3A_96], %swap3A_99 {strides = array<i32>} : memref<128xi32, #tpu.memory_space<vmem>>, vector<16xi32>,
    %get3A_100 = arith.constant 112 : index
    %get3A_101 = tpu.vector_load %arg6[%get3A_100] {strides = array<i32>} : memref<128xi32, #tpu.memory_space<vmem>>, vector<16xi32>,
    %get3A_102 = vector.shape_cast %get3A_101 : vector<16xi32> to vector<16xi32>
    %mul3A_103 = arith.constant 4096 : i32
    %mul3A_104 = vector.broadcast %mul3A_103 : i32 to vector<16xi32>
    %mul3A_105 = arith.muli %get3A_102, %mul3A_104 : vector<16xi32>
    %get3A_106 = arith.constant 112 : index
    %get3A_107 = tpu.vector_load %arg5[%get3A_106] {strides = array<i32>} : memref<128xi32, #tpu.memory_space<vmem>>, vector<16xi32>,
    %get3A_108 = vector.shape_cast %get3A_107 : vector<16xi32> to vector<16xi32>
    %add3A_109 = arith.addi %mul3A_105, %get3A_108 : vector<16xi32>
    %swap3A_110 = arith.constant 112 : index
    %swap3A_111 = tpu.vector_load %arg7[%swap3A_110] {strides = array<i32>} : memref<128xi32, #tpu.memory_space<vmem>>, vector<16xi32>,
    %swap3A_112 = vector.shape_cast %swap3A_111 : vector<16xi32> to vector<16xi32>
    %swap3A_113 = vector.shape_cast %add3A_109 : vector<16xi32> to vector<16xi32>
    tpu.vector_store %arg7[%swap3A_110], %swap3A_113 {strides = array<i32>} : memref<128xi32, #tpu.memory_space<vmem>>, vector<16xi32>,
    %dma_start3A = arith.constant 0 : i32
    %dma_start3A_114 = arith.constant 0 : i32
    %dma_start3A_115 = tpu.memref_slice %arg2[%dma_start3A, %dma_start3A_114] : memref<204800x256xf32, #tpu.memory_space<hbm>> -> memref<204800x256xf32, #tpu.memory_space<hbm>>
    tpu.enqueue_indirect_dma source(%dma_start3A_115 : memref<204800x256xf32, #tpu.memory_space<hbm>>) target(%arg8 : memref<128x256xf32, #tpu.memory_space<vmem>>) offsets(%arg7 : memref<128xi32, #tpu.memory_space<vmem>>) semaphore(%arg9 : memref<!tpu.dma_semaphore, #tpu.memory_space<semaphore_mem>>)
    %dma_wait3A = arith.constant 0 : i32
    %dma_wait3A_116 = arith.constant 0 : i32
    %dma_wait3A_117 = tpu.memref_slice %arg2[%dma_wait3A, %dma_wait3A_116] : memref<204800x256xf32, #tpu.memory_space<hbm>> -> memref<204800x256xf32, #tpu.memory_space<hbm>>
    tpu.wait_indirect_dma semaphore(%arg9 : memref<!tpu.dma_semaphore, #tpu.memory_space<semaphore_mem>>) src(%dma_wait3A_117 : memref<204800x256xf32, #tpu.memory_space<hbm>>) dst(%arg8 : memref<128x256xf32, #tpu.memory_space<vmem>>)
    "tpu.region"() ({
      %run_scoped3A_118 = tpu.sem_alloc : memref<!tpu.dma_semaphore, #tpu.memory_space<semaphore_mem>>
      %dma_start3A_119 = arith.constant 0 : i32
      %dma_start3A_120 = tpu.memref_slice %arg4[%mul3A_2, %dma_start3A_119] : memref<4096x256xf32, #tpu.memory_space<hbm>> -> memref<128x256xf32, #tpu.memory_space<hbm>>
      %dma_start3A_121 = arith.constant 0 : i32
      %dma_start3A_122 = tpu.memref_slice %arg4[%mul3A_2, %dma_start3A_121] : memref<4096x256xf32, #tpu.memory_space<hbm>> -> memref<128x256xf32, #tpu.memory_space<hbm>>
      tpu.enqueue_dma source(%arg8 : memref<128x256xf32, #tpu.memory_space<vmem>>) target(%dma_start3A_122 : memref<128x256xf32, #tpu.memory_space<hbm>>) target_semaphore(%run_scoped3A_118 : memref<!tpu.dma_semaphore, #tpu.memory_space<semaphore_mem>>)
      %dma_wait3A_123 = arith.constant 0 : i32
      %dma_wait3A_124 = tpu.memref_slice %arg4[%mul3A_2, %dma_wait3A_123] : memref<4096x256xf32, #tpu.memory_space<hbm>> -> memref<128x256xf32, #tpu.memory_space<hbm>>
      %dma_wait3A_125 = arith.constant 0 : i32
      %dma_wait3A_126 = tpu.memref_slice %arg4[%mul3A_2, %dma_wait3A_125] : memref<4096x256xf32, #tpu.memory_space<hbm>> -> memref<128x256xf32, #tpu.memory_space<hbm>>
      tpu.wait_dma2 semaphore(%run_scoped3A_118 : memref<!tpu.dma_semaphore, #tpu.memory_space<semaphore_mem>>) src(%arg8 : memref<128x256xf32, #tpu.memory_space<vmem>>) dst(%dma_wait3A_126 : memref<128x256xf32, #tpu.memory_space<hbm>>)
      tpu.yield
    }) : () -> ()
    return
  }
}

module attributes {stable_mosaic.version = 14 : i64} {
  func.func @_tc_body(%arg0: i32, %arg1: memref<25x256x256xf32, #tpu.memory_space<vmem>>, %arg2: memref<25x256x256xf32, #tpu.memory_space<vmem>>, %arg3: memref<256x256xf32, #tpu.memory_space<vmem>>, %arg4: memref<512x512xf32, #tpu.memory_space<vmem>>, %arg5: memref<1x512xf32, #tpu.memory_space<vmem>>, %arg6: memref<512x256xf32, #tpu.memory_space<vmem>>, %arg7: memref<1x256xf32, #tpu.memory_space<vmem>>, %arg8: memref<256x256xf32, #tpu.memory_space<vmem>>) attributes {dimension_semantics = [#tpu.dimension_semantics<arbitrary>], iteration_bounds = array<i64: 16>, scalar_prefetch = 0 : i64, scratch_operands = 0 : i64, tpu.core_type = #tpu.core_type<tc>, window_params = [{transform_indices = @transform_0, window_bounds = array<i64: 25, 256, 256>}, {transform_indices = @transform_1, window_bounds = array<i64: 25, 256, 256>}, {transform_indices = @transform_2, window_bounds = array<i64: 256, 256>}, {pipeline_mode = #tpu.pipeline_mode<synchronous>, transform_indices = @transform_3, window_bounds = array<i64: 512, 512>}, {pipeline_mode = #tpu.pipeline_mode<synchronous>, transform_indices = @transform_4, window_bounds = array<i64: 1, 512>}, {pipeline_mode = #tpu.pipeline_mode<synchronous>, transform_indices = @transform_5, window_bounds = array<i64: 512, 256>}, {pipeline_mode = #tpu.pipeline_mode<synchronous>, transform_indices = @transform_6, window_bounds = array<i64: 1, 256>}, {transform_indices = @transform_7, window_bounds = array<i64: 256, 256>}]} {
    %get3A = arith.constant 0 : index
    %get3A_0 = arith.constant 0 : index
    %get3A_1 = arith.constant 0 : index
    %get3A_2 = vector.load %arg1[%get3A, %get3A_0, %get3A_1] : memref<25x256x256xf32, #tpu.memory_space<vmem>>, vector<25x256x256xf32>
    %reduce_sum3A = arith.constant dense<0.000000e+00> : vector<256x256xf32>
    %reduce_sum3A_3 = vector.multi_reduction <add>, %get3A_2, %reduce_sum3A [0] : vector<25x256x256xf32> to vector<256x256xf32>
    %get3A_4 = arith.constant 0 : index
    %get3A_5 = arith.constant 0 : index
    %get3A_6 = arith.constant 0 : index
    %get3A_7 = vector.load %arg2[%get3A_4, %get3A_5, %get3A_6] : memref<25x256x256xf32, #tpu.memory_space<vmem>>, vector<25x256x256xf32>
    %reduce_sum3A_8 = arith.constant dense<0.000000e+00> : vector<256x256xf32>
    %reduce_sum3A_9 = vector.multi_reduction <add>, %get3A_7, %reduce_sum3A_8 [0] : vector<25x256x256xf32> to vector<256x256xf32>
    %add3A = arith.addf %reduce_sum3A_3, %reduce_sum3A_9 : vector<256x256xf32>
    %mul3A = arith.constant 2.000000e-02 : f32
    %mul3A_10 = vector.broadcast %mul3A : f32 to vector<256x256xf32>
    %mul3A_11 = arith.mulf %add3A, %mul3A_10 : vector<256x256xf32>
    %get3A_12 = arith.constant 0 : index
    %get3A_13 = arith.constant 0 : index
    %get3A_14 = vector.load %arg3[%get3A_12, %get3A_13] : memref<256x256xf32, #tpu.memory_space<vmem>>, vector<256x256xf32>
    %concatenate3A = tpu.concatenate %get3A_14, %mul3A_11 in 1 : vector<256x256xf32>, vector<256x256xf32> -> vector<256x512xf32>
    %get3A_15 = arith.constant 0 : index
    %get3A_16 = arith.constant 0 : index
    %get3A_17 = vector.load %arg4[%get3A_15, %get3A_16] : memref<512x512xf32, #tpu.memory_space<vmem>>, vector<512x512xf32>
    %dot_general3A = arith.constant dense<0.000000e+00> : vector<256x512xf32>
    %dot_general3A_18 = tpu.matmul %concatenate3A, %get3A_17, %dot_general3A {dimension_numbers = #tpu.dot_dimension_numbers<[1], [0], [0], [1], [0, 0, 1, 1], [], []>, transpose_lhs_hint = false} : vector<256x512xf32>, vector<512x512xf32>, vector<256x512xf32> -> vector<256x512xf32>
    %get3A_19 = arith.constant 0 : index
    %get3A_20 = arith.constant 0 : index
    %get3A_21 = vector.load %arg5[%get3A_19, %get3A_20] : memref<1x512xf32, #tpu.memory_space<vmem>>, vector<1x512xf32>
    %add3A_22 = vector.broadcast %get3A_21 : vector<1x512xf32> to vector<256x512xf32>
    %add3A_23 = arith.addf %dot_general3A_18, %add3A_22 : vector<256x512xf32>
    %max3A = arith.constant 0.000000e+00 : f32
    %max3A_24 = vector.broadcast %max3A : f32 to vector<256x512xf32>
    %max3A_25 = arith.maximumf %add3A_23, %max3A_24 : vector<256x512xf32>
    %get3A_26 = arith.constant 0 : index
    %get3A_27 = arith.constant 0 : index
    %get3A_28 = vector.load %arg6[%get3A_26, %get3A_27] : memref<512x256xf32, #tpu.memory_space<vmem>>, vector<512x256xf32>
    %dot_general3A_29 = arith.constant dense<0.000000e+00> : vector<256x256xf32>
    %dot_general3A_30 = tpu.matmul %max3A_25, %get3A_28, %dot_general3A_29 {dimension_numbers = #tpu.dot_dimension_numbers<[1], [0], [0], [1], [0, 0, 1, 1], [], []>, transpose_lhs_hint = false} : vector<256x512xf32>, vector<512x256xf32>, vector<256x256xf32> -> vector<256x256xf32>
    %get3A_31 = arith.constant 0 : index
    %get3A_32 = arith.constant 0 : index
    %get3A_33 = vector.load %arg7[%get3A_31, %get3A_32] : memref<1x256xf32, #tpu.memory_space<vmem>>, vector<1x256xf32>
    %add3A_34 = vector.broadcast %get3A_33 : vector<1x256xf32> to vector<256x256xf32>
    %add3A_35 = arith.addf %dot_general3A_30, %add3A_34 : vector<256x256xf32>
    %max3A_36 = arith.constant 0.000000e+00 : f32
    %max3A_37 = vector.broadcast %max3A_36 : f32 to vector<256x256xf32>
    %max3A_38 = arith.maximumf %add3A_35, %max3A_37 : vector<256x256xf32>
    %swap3A = arith.constant 0 : index
    %swap3A_39 = arith.constant 0 : index
    %swap3A_40 = vector.load %arg8[%swap3A, %swap3A_39] : memref<256x256xf32, #tpu.memory_space<vmem>>, vector<256x256xf32>
    tpu.vector_store %arg8[%swap3A, %swap3A_39], %max3A_38 {strides = array<i32>} : memref<256x256xf32, #tpu.memory_space<vmem>>, vector<256x256xf32>,
    return
  }
  func.func @transform_0(%arg0: i32) -> (i32, i32, i32) {
    %c0_i32 = arith.constant 0 : i32
    %c0_i32_0 = arith.constant 0 : i32
    %c0_i32_1 = arith.constant 0 : i32
    return %c0_i32, %arg0, %c0_i32_0 : i32, i32, i32
  }
  func.func @transform_1(%arg0: i32) -> (i32, i32, i32) {
    %c1_i32 = arith.constant 1 : i32
    %c0_i32 = arith.constant 0 : i32
    %c0_i32_0 = arith.constant 0 : i32
    return %c1_i32, %arg0, %c0_i32 : i32, i32, i32
  }
  func.func @transform_2(%arg0: i32) -> (i32, i32) {
    %c0_i32 = arith.constant 0 : i32
    %c0_i32_0 = arith.constant 0 : i32
    return %arg0, %c0_i32 : i32, i32
  }
  func.func @transform_3(%arg0: i32) -> (i32, i32) {
    %c0_i32 = arith.constant 0 : i32
    %c0_i32_0 = arith.constant 0 : i32
    %c0_i32_1 = arith.constant 0 : i32
    return %c0_i32, %c0_i32_0 : i32, i32
  }
  func.func @transform_4(%arg0: i32) -> (i32, i32) {
    %c0_i32 = arith.constant 0 : i32
    %c0_i32_0 = arith.constant 0 : i32
    %c0_i32_1 = arith.constant 0 : i32
    return %c0_i32, %c0_i32_0 : i32, i32
  }
  func.func @transform_5(%arg0: i32) -> (i32, i32) {
    %c0_i32 = arith.constant 0 : i32
    %c0_i32_0 = arith.constant 0 : i32
    %c0_i32_1 = arith.constant 0 : i32
    return %c0_i32, %c0_i32_0 : i32, i32
  }
  func.func @transform_6(%arg0: i32) -> (i32, i32) {
    %c0_i32 = arith.constant 0 : i32
    %c0_i32_0 = arith.constant 0 : i32
    %c0_i32_1 = arith.constant 0 : i32
    return %c0_i32, %c0_i32_0 : i32, i32
  }
  func.func @transform_7(%arg0: i32) -> (i32, i32) {
    %c0_i32 = arith.constant 0 : i32
    %c0_i32_0 = arith.constant 0 : i32
    return %arg0, %c0_i32 : i32, i32
  }
}

</mosaic_0001>

<sc_bundles>
// kernel: kernel.4.cloned.1.call-start
scs
__scs_entry_jumppad:
0x0: {  	(pc) =	sbr.rel $0x88, $3  }
0x1: {  	(tag) =	ssettag $0x0;
	lr =	simm.s32 $0x1  }
0x2: {  	[smem:$0x3F9B] =	sst lr;
	_ =	strace $0xD0000000  }
0x3: {  	_ = 	snop  }
0x4: {  	_ = 	snop  }
0x5: {  	_ = 	snop  }
0x6: {  	_ = 	snop  }
0x7: {  	_ = 	snop  }
__scs_overlays_trampoline_lowered:
0x8: {  	[smem:$0x3FAA] =	sst s0  }
0x9: {  	[smem:$0x3FAB] =	sst s1  }
0xa: {  	[smem:$0x3FAC] =	sst s2  }
0xb: {  	[smem:$0x3FAD] =	sst s3  }
0xc: {  	[smem:$0x3FAE] =	sst s4  }
0xd: {  	[smem:$0x3FAF] =	sst s5  }
0xe: {  	[smem:$0x3FB0] =	sst s6  }
0xf: {  	[smem:$0x3FB1] =	sst s7  }
0x10: {  	[smem:$0x3FB2] =	sst s8  }
0x11: {  	[smem:$0x3FB3] =	sst s9;
	s0 =	simm.s32 @!p0 $0x0  }
0x12: {  	s1 =	sld [smem:$0x3F99];
	s0 =	simm.s32 @p0 $0x1  }
0x13: {  	[smem:$0x3FB4] =	sst s0;
	s0 =	simm.s32 @!p1 $0x0  }
0x14: {  	s2 =	sld [smem:$0x3F98];
	s0 =	simm.s32 @p1 $0x1  }
0x15: {  	[smem:$0x3FB5] =	sst s0;
	s0 =	simm.s32 @!p2 $0x0  }
0x16: {  	s3 =	sld [smem:$0x3FDB];
	s0 =	simm.s32 @p2 $0x1  }
0x17: {  	s4 =	simm.s32 $0x1BF5;
	[smem:$0x3FB7] =	sst s0  }
0x18: {  	s0 =	sld [smem:$0x3F9A];
	_ =	swait.ge [sflag:s4], $0x0  }
0x19: {  	s7 =	sld [smem:$0x3F9B]  }
0x1a: {  	s8 =	sadd.s32 $0xFFFFE003, lr  }
0x1b: {  	s9 =	sadd.s32 $0xFFFFFEF7, lr;
	s5 =	simm.s32 $0xFFFFFFFF;
	p2 =	slt.u32 s8, $0xFFFFF086  }
0x1c: {  	p1 =	slt.u32 s9, $0xF7A;
	s5 =	simm.s32 @!p2 $0x0  }
0x1d: {  	s5 =	simm.s32 @p1 $0x1;
	p0 =	seq.s32 s7, s2  }
0x1e: {  	s7 =	smul.u32 @!p0 $0xF7A, s2;
	p2 =	seq.s32 @!p0 s5, $0x0  }
0x1f: {  	s9 =	smul.u32 $0xF7A, s1;
	s8 =	simm.s32 @!p0 $0x1BF5;
	p2 =	por !p2, p0  }
0x20: {  	[sflag:s8] =	ssyncset.s32 @!p0 $0xFFFFF086;
	s6 =	sadd.s32 @!p0 s3, s7;
	s7 =	simm.s32 @!p0 $0x108  }
0x21: {  	s3 =	sadd.s32 s3, s9;
	s6 =	sadd.s32 @!p0 $0x88, s6;
	s7 =	simm.s32 @p2 $0x1082  }
0x22: {  	[simem:s7], [sflag:s8] =	dma.local @!p0 [hbm:s6], $0xF7A  }
0x23: {  	s9 =	sor.u32 $0xD0000000, s2;
	s6 =	simm.s32 $0x108;
	_ =	swait.ge @!p0 [sflag:s8], $0x0  }
0x24: {  	s3 =	sadd.s32 $0x88, s3;
	s6 =	simm.s32 @!p1 $0x1082;
	[sflag:s4] =	ssyncset.s32 $0xFFFFF086  }
0x25: {  	[simem:s6], [sflag:s4] =	dma.local [hbm:s3], $0xF7A  }
0x26: {  	[smem:$0x3F9B] =	sst s1;
	(tag) =	ssettag s2;
	_ =	strace s9  }
0x27: {  	s1 =	sld [smem:$0x3FAB]  }
0x28: {  	s2 =	sld [smem:$0x3FAC]  }
0x29: {  	s4 =	sld [smem:$0x3FAE]  }
0x2a: {  	p0 =	seq.s32 s5, $0x0;
	s5 =	sld [smem:$0x3FAF]  }
0x2b: {  	s6 =	sld [smem:$0x3FB0]  }
0x2c: {  	s7 =	sld [smem:$0x3FB1]  }
0x2d: {  	s3 =	simm.s32 $0x108;
	s8 =	sld [smem:$0x3FB2]  }
0x2e: {  	s3 =	simm.s32 @!p0 $0x1082;
	s9 =	sld [smem:$0x3FB3]  }
0x2f: {  	lr =	sadd.s32 s0, s3;
	s0 =	sld [smem:$0x3FAA]  }
0x30: {  	s3 =	sld [smem:$0x3FAD]  }
0x31: {  	[smem:$0x3FB6] =	sst s10  }
0x32: {  	s10 =	sld [smem:$0x3FB4];
	_ =	sdelay $0x3  }
0x33: {  	p0 =	seq.s32 s10, $0x1;
	s10 =	sld [smem:$0x3FB6];
	_ =	sdelay $0x3  }
0x34: {  	[smem:$0x3FB6] =	sst s10  }
0x35: {  	s10 =	sld [smem:$0x3FB5];
	_ =	sdelay $0x3  }
0x36: {  	p1 =	seq.s32 s10, $0x1;
	s10 =	sld [smem:$0x3FB6];
	_ =	sdelay $0x3  }
0x37: {  	[smem:$0x3FB6] =	sst s10  }
0x38: {  	s10 =	sld [smem:$0x3FB7]  }
0x39: {  	_ = 	snop;
	(pc) =	sbr.ind lr, $3  }
0x3a: {  	_ = 	snop  }
0x3b: {  	_ = 	snop  }
0x3c: {  	p2 =	seq.s32 s10, $0x1;
	s10 =	sld [smem:$0x3FB6]  }
0x3d: {  	_ =	shalt  }
0x3e: {  	_ =	shalt  }
0x3f: {  	_ =	shalt  }
0x40: {  	_ =	shalt  }
0x41: {  	_ =	shalt  }
0x42: {  	_ =	shalt  }
0x43: {  	_ =	shalt  }
0x44: {  	_ =	shalt  }
0x45: {  	_ =	shalt  }
0x46: {  	_ =	shalt  }
0x47: {  	_ =	shalt  }
0x48: {  	_ =	shalt  }
0x49: {  	_ =	shalt  }
0x4a: {  	_ =	shalt  }
0x4b: {  	_ =	shalt  }
0x4c: {  	_ =	shalt  }
0x4d: {  	_ =	shalt  }
0x4e: {  	_ =	shalt  }
0x4f: {  	_ =	shalt  }
0x50: {  	_ =	shalt  }
0x51: {  	_ =	shalt  }
0x52: {  	_ =	shalt  }
0x53: {  	_ =	shalt  }
0x54: {  	_ =	shalt  }
0x55: {  	_ =	shalt  }
0x56: {  	_ =	shalt  }
0x57: {  	_ =	shalt  }
0x58: {  	_ =	shalt  }
0x59: {  	_ =	shalt  }
0x5a: {  	_ =	shalt  }
0x5b: {  	_ =	shalt  }
0x5c: {  	_ =	shalt  }
0x5d: {  	_ =	shalt  }
0x5e: {  	_ =	shalt  }
0x5f: {  	_ =	shalt  }
0x60: {  	_ =	shalt  }
0x61: {  	_ =	shalt  }
0x62: {  	_ =	shalt  }
0x63: {  	_ =	shalt  }
0x64: {  	_ =	shalt  }
0x65: {  	_ =	shalt  }
0x66: {  	_ =	shalt  }
0x67: {  	_ =	shalt  }
0x68: {  	_ =	shalt  }
0x69: {  	_ =	shalt  }
0x6a: {  	_ =	shalt  }
0x6b: {  	_ =	shalt  }
0x6c: {  	_ =	shalt  }
0x6d: {  	_ =	shalt  }
0x6e: {  	_ =	shalt  }
0x6f: {  	_ =	shalt  }
0x70: {  	_ =	shalt  }
0x71: {  	_ =	shalt  }
0x72: {  	_ =	shalt  }
0x73: {  	_ =	shalt  }
0x74: {  	_ =	shalt  }
0x75: {  	_ =	shalt  }
0x76: {  	_ =	shalt  }
0x77: {  	_ =	shalt  }
0x78: {  	_ =	shalt  }
0x79: {  	_ =	shalt  }
0x7a: {  	_ =	shalt  }
0x7b: {  	_ =	shalt  }
0x7c: {  	_ =	shalt  }
0x7d: {  	_ =	shalt  }
0x7e: {  	_ =	shalt  }
0x7f: {  	_ =	shalt  }
0x80: {  	_ =	shalt  }
0x81: {  	_ =	shalt  }
0x82: {  	_ =	shalt  }
0x83: {  	_ =	shalt  }
0x84: {  	_ =	shalt  }
0x85: {  	_ =	shalt  }
0x86: {  	_ =	shalt  }
0x87: {  	_ =	shalt  }
.Lfunc_end0:
.L_simem_size_0:
called_computation_lowered:
.L_overlay_start_0:
0x88: {  	s2 =	sld [smem:$0x3FD9]  }
0x89: {  	s3 =	sld [smem:$0x3FFE];
	_ =	sdelay $0x1  }
0x8a: {  	s1 =	srdreg.scid  }
0x8b: {  	s0 =	sand.u32 $0x1, s1  }
0x8c: {  	s18 =	sshll.u32 s0, $0xA;
	s2 =	sadd.s32 s3, s2  }
0x8d: {  	s2 =	sadd.s32 s2, s18  }
0x8e: {  	[smem:$0x3FC2] =	sst s2  }
0x8f: {  	_ = 	snop  }
0x90: {  	s2 =	sld [smem:$0x3FC9]  }
0x91: {  	s19 =	sld [smem:$0x3FC8]  }
0x92: {  	s4 =	sld [smem:$0x3FD0];
	(tm) =	ssettm $0x1  }
0x93: {  	s5 =	sld [smem:$0x3FFB];
	_ =	sdelay $0x3  }
0x94: {  	_ =	strace s5  }
0x95: {  	s5 =	sld [smem:$0x3FFC];
	_ =	sdelay $0x3  }
0x96: {  	_ =	strace s5  }
0x97: {  	s5 =	sld [smem:$0x3FFD];
	_ =	sdelay $0x3  }
0x98: {  	_ =	strace s5  }
0x99: {  	_ =	strace $0x8FFFFFFF  }
0x9a: {  	s20 =	sld [smem:$0x3FDB];
	_ =	sdelay $0x1  }
0x9b: {  	s6 =	simm.s32 $_scs_section_size  }
0x9c: {  	s7 =	simm.s32 $_size__tile_overlayer_lowered;
	s8 =	simm.s32 $_tile_overlayer_lowered  }
0x9d: {  	s23 =	simm.s32 $0x1BFF;
	s22 =	sshll.u32 s8, $0x1;
	s5 =	sadd.s32 s6, s20  }
0x9e: {  	s9 =	simm.s32 $0x0;
	s21 =	sshll.u32 s7, $0x1;
	s7 =	sadd.s32 s22, s5  }
0x9f: {  	[timem:s9], [sflag:s23] =	dma.local [hbm:s7], s21  }
0xa0: {  	_ =	swait.ge [sflag:s23], s21  }
0xa1: {  	s6 =	ssub.s32 $0x0, s21;
	[sflag:s23] =	ssyncset.done $0x0  }
0xa2: {  	[sflag:s23] =	ssyncadd.s32 s6;
	_ =	sdelay $0x1  }
0xa3: {  	s24 =	simm.s32 $0x1B8B  }
0xa4: {  	_ =	swait.ge [sflag:s24], $0x1  }
0xa5: {  	[sflag:s24] =	ssyncset.done $0x0  }
0xa6: {  	s25 =	simm.s32 $0x1B8E;
	[sflag:s24] =	ssyncadd.s32 $0xFFFFFFFF  }
0xa7: {  	s26 =	simm.s32 $execute0_lowered;
	[smem:$0x3FD2] =	sst s25  }
0xa8: {  	s6 =	sshll.u32 s26, $0x1;
	_ =	strace $0x80000046;
	[dreg:$0x1] =	wrdreg $0xFFFFFFFF  }
0xa9: {  	s28 =	simm.s32 $_size_execute0_lowered;
	s5 =	sadd.s32 s5, s6;
	[dreg:$0x0] =	wrdreg $0x0  }
0xaa: {  	s6 =	sshll.u32 s28, $0x1;
	[dreg:$0x2] =	wrdreg s5  }
0xab: {  	[dreg:$0x3] =	wrdreg s6  }
0xac: {  	[dreg:$0x4] =	wrdreg $0xC0  }
0xad: {  	_ =	task [dreg:s9], $0x5FFFF  }
0xae: {  	[dreg:$0x1] =	wrdreg $0xFFFFFFFF  }
0xaf: {  	[dreg:$0x0] =	wrdreg $0x60  }
0xb0: {  	[dreg:$0x2] =	wrdreg s2  }
0xb1: {  	[dreg:$0x3] =	wrdreg s19  }
0xb2: {  	[dreg:$0x4] =	wrdreg s4  }
0xb3: {  	[dreg:$0x5] =	wrdreg $0x9  }
0xb4: {  	_ =	task.clear_ibuf [dreg:s9], $0x6FFFF;
	_ =	strace $0x90000046  }
0xb5: {  	s29 =	simm.s32 $0x9;
	_ =	strace $0x80000048  }
0xb6: {  	_ =	swait.ge [sflag:s29], $0x1  }
0xb7: {  	[sflag:s29] =	ssyncadd.s32 $0xFFFFFFFF  }
0xb8: {  	_ =	strace $0x90000048  }
0xb9: {  	_ =	sfence  }
0xba: {  	s30 =	sld [smem:$0x0];
	_ =	sdelay $0x2  }
0xbb: {  	s31 =	sshll.u32 s1, $0xD;
	s1 =	sshrl.u32 s1, $0x2  }
0xbc: {  	s3 =	sand.u32 $0x4000, s31;
	s1 =	sadd.s32 s1, s30  }
0xbd: {  	s0 =	sor.u32 s3, s0;
	s1 =	sshll.u32 s1, $0x11  }
0xbe: {  	s0 =	sor.u32 s1, s0  }
0xbf: {  	s0 =	sadd.s32 $0x8F2B, s0  }
0xc0: {  	[sflag:s0] =	ssyncadd.remote.s32 $0x1  }
0xc1: {  	_ =	sfence.sel $0xFFFF  }
0xc2: {  	[dreg:$0x0] =	wrdreg $0xFFFFFFFF;
	(pc) =	sbr.abs _section_cstart, $3  }
0xc3: {  	[dreg:$0x1] =	wrdreg $0xFFFFFFFF  }
0xc4: {  	_ =	task.clear_ibuf [dreg:s9], $0x2FFFF;
	_ =	strace $0x9FFFFFFF  }
0xc5: {  	(tm) =	ssettm $0x7FFFFFFF  }
tec
execute0_lowered:
.L_overlay_start_1:
0x0: {  	(tag) =	ssettag $0x1  }
0x1: {  	s1 =	rddreg [dreg:$0x0]  }
0x2: {  	s2 =	srdreg.scid;
	s4 =	rddreg [dreg:$0x1]  }
0x3: {  	s0 =	stileid.u32;
	s6 =	rddreg [dreg:$0x2]  }
0x4: {  	s3 =	simm.s32 $0x0;
	s10 =	simm.s32 $0x180;
	s11 =	simm.s32 $0x980  }
0x5: {  	s12 =	simm.s32 $0x1180;
	s13 =	simm.s32 $0x1980;
	s14 =	simm.s32 $0x2180  }
0x6: {  	s15 =	simm.s32 $0x2980;
	s16 =	simm.s32 $0x3180;
	s17 =	simm.s32 $0x3980  }
0x7: {  	s18 =	simm.s32 $0x4180;
	s19 =	simm.s32 $0x4980;
	s20 =	simm.s32 $0x5180  }
0x8: {  	s21 =	simm.s32 $0x5980;
	s22 =	simm.s32 $0x6180;
	s23 =	simm.s32 $0x6980  }
0x9: {  	s24 =	simm.s32 $0x7180;
	s25 =	simm.s32 $0x7980;
	s26 =	simm.s32 $0x1  }
0xa: {  	s5 =	sand.u32 $0x1, s2;
	s7 =	sshll.u32 s0, $0x8;
	s2 =	rddreg [dreg:$0x3]  }
0xb: {  	[smem:$0x7FF] =	sst s3;
	s8 =	sshll.u32 s5, $0x7;
	s5 =	ssub.s32 $0x2, s5  }
0xc: {  	_ =	strace $0x80000047;
	s7 =	sor.u32 s8, s7;
	s9 =	sshrl.u32 s5, $0x1  }
0xd: {  	v2 =	vlaneseq.u32;
	s8 =	sshrl.u32 s7, $0x2;
	s31 =	ssub.s32 s5, s9;
	s7 =	sshll.u32 s7, $0x5  }
0xe: {  	vm0 =	vmmov $0xffff;
	v1 =	vshrl.u32 v2, $0x3;
	s9 =	simm.s32 $0x80;
	s4 =	sadd.s32 s4, s8;
	s6 =	sadd.s32 s6, s7  }
0xf: {  	v0 =	vand.u32 $0x7, v2;
	v2 =	vor.u32 $0x8, v2;
	v1 =	vmul.u32 $0x8, v1;
	s7 =	smax.u32 s31, $0x1;
	s8 =	simm.s32 $0x2;
	s5 =	sadd.s32 $0x10, s4  }
.LBB2_1:
0x10: {  	[tilespmem:s3], [sflag:$0x2] =	stream.linear.gather [hbm4b:s4+s3], $0x80, $0x38;
	[tilespmem:$0x8180] =	vst v63  }
0x11: {  	_ =	swait.ge [sflag:s8], $0x80  }
0x12: {  	[sflag:s8] =	ssyncset.done $0x0  }
0x13: {  	[sflag:s8] =	ssyncadd.s32 $0xFFFFFF80  }
0x14: {  	[tilespmem:s9], [sflag:$0x2] =	stream.linear.gather [hbm4b:s5+s3], $0x80, $0x38;
	[tilespmem:$0x8180] =	vst v63  }
0x15: {  	_ =	swait.ge [sflag:s8], $0x80  }
0x16: {  	[sflag:s8] =	ssyncset.done $0x0  }
0x17: {  	[sflag:s8] =	ssyncadd.s32 $0xFFFFFF80  }
0x18: {  	v3 =	vld [tilespmem:$0x80]  }
0x19: {  	v4 =	vld [tilespmem:$0x0]  }
0x1a: {  	v5 =	vld [tilespmem:$0x90]  }
0x1b: {  	v6 =	vld [tilespmem:$0x10]  }
0x1c: {  	v7 =	vld [tilespmem:$0xA0]  }
0x1d: {  	v8 =	vld [tilespmem:$0x20]  }
0x1e: {  	v9 =	vld [tilespmem:$0xB0]  }
0x1f: {  	v10 =	vld [tilespmem:$0x30]  }
0x20: {  	v11 =	vld [tilespmem:$0xC0]  }
0x21: {  	v12 =	vld [tilespmem:$0x40]  }
0x22: {  	v13 =	vld [tilespmem:$0xD0];
	v3 =	vshll.u32 v3, $0xC  }
0x23: {  	v14 =	vld [tilespmem:$0x50];
	v3 =	vadd.s32 v4, v3  }
0x24: {  	v15 =	vld [tilespmem:$0xE0];
	v5 =	vshll.u32 v5, $0xC;
	v16 =	vshll.u32 v3, $0x1  }
0x25: {  	v17 =	vld [tilespmem:$0x60];
	v7 =	vshll.u32 v7, $0xC;
	v4 =	vand.u32 $0x7, v4;
	v16 =	vand.u32 $0xFFFFFFF0, v16  }
0x26: {  	v49 =	vld [tilespmem:$0xF0];
	v50 =	vshll.u32 v11, $0xC;
	[tilespmem:$0x100] =	vst v3;
	v3 =	vadd.s32 v6, v5;
	v4 =	vor.u32 v4, v16  }
0x27: {  	v51 =	vld [tilespmem:$0x70];
	v48 =	vadd.s32 v8, v7;
	[tilespmem:$0x110] =	vst v3;
	v3 =	vshll.u32 v9, $0xC;
	v52 =	vperm.xlane v4, v0  }
0x28: {  	v53 =	vadd.s32 v12, v50;
	[tilespmem:$0x120] =	vst v48;
	v3 =	vadd.s32 v10, v3  }
0x29: {  	[tilespmem:$0x130] =	vst v3;
	v3 =	vshll.u32 v13, $0xC;
	v4 =	vperm.xlane v4, v2;
	v54 =	vadd.s32 v1, v52  }
0x2a: {  	v55 =	vshll.u32 v15, $0xC;
	[tilespmem:$0x140] =	vst v53;
	v3 =	vadd.s32 v14, v3  }
0x2b: {  	v56 =	vshll.u32 v49, $0xC;
	[tilespmem:$0x150] =	vst v3;
	v3 =	vadd.s32 v17, v55;
	v4 =	vadd.s32 v1, v4  }
0x2c: {  	[tilespmem:$0x160] =	vst v3;
	v3 =	vadd.s32 v51, v56  }
0x2d: {  	[tilespmem:$0x170] =	vst v3  }
0x2e: {  	[tilespmem:s10], [sflag:$0x1] =	stream.indirect_vreg.gather [hbm4b:s1+s3], $0x80, v54, vm0, $0xb8;
	[tilespmem:$0x8180] =	vst v63  }
0x2f: {  	_ = 	snop  }
0x30: {  	[tilespmem:s11], [sflag:$0x1] =	stream.indirect_vreg.gather [hbm4b:s1+s3], $0x80, v4, vm0, $0xb8;
	[tilespmem:$0x8180] =	vst v63  }
0x31: {  	v3 =	vld [tilespmem:$0x110];
	_ =	sdelay $0x4  }
0x32: {  	v57 =	vshll.u32 v3, $0x1  }
0x33: {  	v3 =	vand.u32 $0x7, v3;
	v4 =	vand.u32 $0xFFFFFFF0, v57  }
0x34: {  	v3 =	vor.u32 v3, v4  }
0x35: {  	v4 =	vperm.xlane v3, v0;
	_ =	sdelay $0x1  }
0x36: {  	v3 =	vperm.xlane v3, v2;
	v4 =	vadd.s32 v1, v4;
	_ =	sdelay $0x1  }
0x37: {  	v3 =	vadd.s32 v1, v3;
	_ =	sdelay $0x2  }
0x38: {  	[tilespmem:s12], [sflag:$0x1] =	stream.indirect_vreg.gather [hbm4b:s1+s3], $0x80, v4, vm0, $0xb8;
	[tilespmem:$0x8180] =	vst v63  }
0x39: {  	_ = 	snop  }
0x3a: {  	[tilespmem:s13], [sflag:$0x1] =	stream.indirect_vreg.gather [hbm4b:s1+s3], $0x80, v3, vm0, $0xb8;
	[tilespmem:$0x8180] =	vst v63  }
0x3b: {  	v3 =	vld [tilespmem:$0x120];
	_ =	sdelay $0x4  }
0x3c: {  	v58 =	vshll.u32 v3, $0x1  }
0x3d: {  	v3 =	vand.u32 $0x7, v3;
	v4 =	vand.u32 $0xFFFFFFF0, v58  }
0x3e: {  	v3 =	vor.u32 v3, v4  }
0x3f: {  	v4 =	vperm.xlane v3, v0;
	_ =	sdelay $0x1  }
0x40: {  	v3 =	vperm.xlane v3, v2;
	v4 =	vadd.s32 v1, v4;
	_ =	sdelay $0x1  }
0x41: {  	v3 =	vadd.s32 v1, v3;
	_ =	sdelay $0x2  }
0x42: {  	[tilespmem:s14], [sflag:$0x1] =	stream.indirect_vreg.gather [hbm4b:s1+s3], $0x80, v4, vm0, $0xb8;
	[tilespmem:$0x8180] =	vst v63  }
0x43: {  	_ = 	snop  }
0x44: {  	[tilespmem:s15], [sflag:$0x1] =	stream.indirect_vreg.gather [hbm4b:s1+s3], $0x80, v3, vm0, $0xb8;
	[tilespmem:$0x8180] =	vst v63  }
0x45: {  	v3 =	vld [tilespmem:$0x130];
	_ =	sdelay $0x4  }
0x46: {  	v59 =	vshll.u32 v3, $0x1  }
0x47: {  	v3 =	vand.u32 $0x7, v3;
	v4 =	vand.u32 $0xFFFFFFF0, v59  }
0x48: {  	v3 =	vor.u32 v3, v4  }
0x49: {  	v4 =	vperm.xlane v3, v0;
	_ =	sdelay $0x1  }
0x4a: {  	v3 =	vperm.xlane v3, v2;
	v4 =	vadd.s32 v1, v4;
	_ =	sdelay $0x1  }
0x4b: {  	v3 =	vadd.s32 v1, v3;
	_ =	sdelay $0x2  }
0x4c: {  	[tilespmem:s16], [sflag:$0x1] =	stream.indirect_vreg.gather [hbm4b:s1+s3], $0x80, v4, vm0, $0xb8;
	[tilespmem:$0x8180] =	vst v63  }
0x4d: {  	_ = 	snop  }
0x4e: {  	[tilespmem:s17], [sflag:$0x1] =	stream.indirect_vreg.gather [hbm4b:s1+s3], $0x80, v3, vm0, $0xb8;
	[tilespmem:$0x8180] =	vst v63  }
0x4f: {  	v3 =	vld [tilespmem:$0x140];
	_ =	sdelay $0x4  }
0x50: {  	v60 =	vshll.u32 v3, $0x1  }
0x51: {  	v3 =	vand.u32 $0x7, v3;
	v4 =	vand.u32 $0xFFFFFFF0, v60  }
0x52: {  	v3 =	vor.u32 v3, v4  }
0x53: {  	v4 =	vperm.xlane v3, v0;
	_ =	sdelay $0x1  }
0x54: {  	v3 =	vperm.xlane v3, v2;
	v4 =	vadd.s32 v1, v4;
	_ =	sdelay $0x1  }
0x55: {  	v3 =	vadd.s32 v1, v3;
	_ =	sdelay $0x2  }
0x56: {  	[tilespmem:s18], [sflag:$0x1] =	stream.indirect_vreg.gather [hbm4b:s1+s3], $0x80, v4, vm0, $0xb8;
	[tilespmem:$0x8180] =	vst v63  }
0x57: {  	_ = 	snop  }
0x58: {  	[tilespmem:s19], [sflag:$0x1] =	stream.indirect_vreg.gather [hbm4b:s1+s3], $0x80, v3, vm0, $0xb8;
	[tilespmem:$0x8180] =	vst v63  }
0x59: {  	v3 =	vld [tilespmem:$0x150];
	_ =	sdelay $0x4  }
0x5a: {  	v61 =	vshll.u32 v3, $0x1  }
0x5b: {  	v3 =	vand.u32 $0x7, v3;
	v4 =	vand.u32 $0xFFFFFFF0, v61  }
0x5c: {  	v3 =	vor.u32 v3, v4  }
0x5d: {  	v4 =	vperm.xlane v3, v0;
	_ =	sdelay $0x1  }
0x5e: {  	v3 =	vperm.xlane v3, v2;
	v4 =	vadd.s32 v1, v4;
	_ =	sdelay $0x1  }
0x5f: {  	v3 =	vadd.s32 v1, v3;
	_ =	sdelay $0x2  }
0x60: {  	[tilespmem:s20], [sflag:$0x1] =	stream.indirect_vreg.gather [hbm4b:s1+s3], $0x80, v4, vm0, $0xb8;
	[tilespmem:$0x8180] =	vst v63  }
0x61: {  	_ = 	snop  }
0x62: {  	[tilespmem:s21], [sflag:$0x1] =	stream.indirect_vreg.gather [hbm4b:s1+s3], $0x80, v3, vm0, $0xb8;
	[tilespmem:$0x8180] =	vst v63  }
0x63: {  	v3 =	vld [tilespmem:$0x160];
	_ =	sdelay $0x4  }
0x64: {  	v62 =	vshll.u32 v3, $0x1  }
0x65: {  	v3 =	vand.u32 $0x7, v3;
	v4 =	vand.u32 $0xFFFFFFF0, v62  }
0x66: {  	v3 =	vor.u32 v3, v4  }
0x67: {  	v4 =	vperm.xlane v3, v0;
	_ =	sdelay $0x1  }
0x68: {  	v3 =	vperm.xlane v3, v2;
	v4 =	vadd.s32 v1, v4;
	_ =	sdelay $0x1  }
0x69: {  	v3 =	vadd.s32 v1, v3;
	_ =	sdelay $0x2  }
0x6a: {  	[tilespmem:s22], [sflag:$0x1] =	stream.indirect_vreg.gather [hbm4b:s1+s3], $0x80, v4, vm0, $0xb8;
	[tilespmem:$0x8180] =	vst v63  }
0x6b: {  	_ = 	snop  }
0x6c: {  	[tilespmem:s23], [sflag:$0x1] =	stream.indirect_vreg.gather [hbm4b:s1+s3], $0x80, v3, vm0, $0xb8;
	[tilespmem:$0x8180] =	vst v63  }
0x6d: {  	v3 =	vld [tilespmem:$0x170];
	_ =	sdelay $0x4  }
0x6e: {  	v63 =	vshll.u32 v3, $0x1  }
0x6f: {  	v3 =	vand.u32 $0x7, v3;
	v4 =	vand.u32 $0xFFFFFFF0, v63  }
0x70: {  	v3 =	vor.u32 v3, v4  }
0x71: {  	v4 =	vperm.xlane v3, v0;
	_ =	sdelay $0x1  }
0x72: {  	v3 =	vperm.xlane v3, v2;
	v4 =	vadd.s32 v1, v4;
	_ =	sdelay $0x1  }
0x73: {  	v3 =	vadd.s32 v1, v3;
	_ =	sdelay $0x2  }
0x74: {  	[tilespmem:s24], [sflag:$0x1] =	stream.indirect_vreg.gather [hbm4b:s1+s3], $0x80, v4, vm0, $0xb8;
	[tilespmem:$0x8180] =	vst v63  }
0x75: {  	_ = 	snop  }
0x76: {  	[tilespmem:s25], [sflag:$0x1] =	stream.indirect_vreg.gather [hbm4b:s1+s3], $0x80, v3, vm0, $0xb8;
	[tilespmem:$0x8180] =	vst v63  }
0x77: {  	_ =	swait.ge [sflag:s26], $0x8000  }
0x78: {  	p0 =	sne.s32 s7, $0x1;
	[sflag:s26] =	ssyncset.done $0x0  }
.Ltmp0:
0x79: {  	[sflag:s26] =	ssyncadd.s32 $0xFFFF8000;
	(pc) =	sbr.rel @p0 .LBB2_1-.Ltmp0, $4  }
0x7a: {  	[hbm4b:s6+s3] =	stream.linear.scatter [tilespmem:s10], [sflag:$0x2], $0x8000, $0x38;
	[tilespmem:$0x8180] =	vst v63  }
0x7b: {  	_ =	swait.ge [sflag:s8], $0x8000  }
0x7c: {  	[sflag:s8] =	ssyncset.done $0x0  }
0x7d: {  	s7 =	sadd.s32 $0xFFFFFFFF, s7;
	[sflag:s8] =	ssyncadd.s32 $0xFFFF8000  }
0x7e: {  	_ =	sfence.sel $0x180000  }
0x7f: {  	[bflag:$0x0] =	sbarrier.arrive $0xFFFF  }
0x80: {  	p0 =	sne.s32 s0, $0x0;
	_ =	strace $0x90000047  }
0x81: {  	s0 =	sadd.s32 @!p0 $0x100000, s2;
	[bflag:$0x2] =	sbarrier.arrive $0xFFFF  }
0x82: {  	[sflag:s0] =	ssyncadd.tile.s32 @!p0 $0x1;
	_ =	shalt  }
.Lfunc_end2:
_tile_overlayer_lowered:
.L_overlay_start_2:
0x83: {  	(tag) =	ssettag $0x2  }
0x84: {  	s0 =	rddreg [dreg:$0x0];
	s2 =	stileid.u32  }
0x85: {  	s1 =	rddreg [dreg:$0x1];
	p0 =	sne.s32 s2, $0x0  }
0x86: {  	s3 =	rddreg [dreg:$0x2];
	[bflag:$0x3] =	sbarrier.arrive $0xFFFF;
	s2 =	simm.s32 @!p0 $0x1C02  }
0x87: {  	[timem:s3], [sflag:s2] =	dma.local @!p0 [hbm:s0], s1  }
0x88: {  	s0 =	simm.s32 @!p0 $0x2  }
0x89: {  	_ =	swait.ge @!p0 [sflag:s0], s1  }
0x8a: {  	s1 =	ssub.s32 @!p0 $0x0, s1;
	[sflag:s0] =	ssyncset.done @!p0 $0x0  }
0x8b: {  	[sflag:s0] =	ssyncadd.s32 @!p0 s1  }
0x8c: {  	[bflag:$0x3] =	sbarrier.arrive $0xFFFF  }
0x8d: {  	_ =	shalt  }

</sc_bundles>
